<compile_context>
chip_gen: v7x
topology: tpu7x:2x2x1
jax: 0.10.2.dev20260603
libtpu: 0.0.44.dev20260713+nightly
codegen_flags: <defaults>
</compile_context>

<pallas_src>
import functools

import jax
import jax.numpy as jnp
from jax import lax
from jax.experimental import pallas as pl
from jax.experimental.pallas import tpu as pltpu
from jax.experimental.pallas import tpu_sc as plsc

BATCH = 16384
_INFO = plsc.get_sparse_core_info()
_NS, _L = _INFO.num_subcores, _INFO.num_lanes
_NC = 1
_NW = _NC * _NS
_BPW = BATCH // _NW
_C0 = 512
_C1 = _BPW - _C0


def _mean_model_sc(uid_hbm, mid_hbm, utab_hbm, mtab_hbm, mean_hbm, out_hbm,
                   uid_v, mid_v, ub_v, mb_v, zidx_v, mean_v,
                   sem_u, sem_m, sem_u1, sem_m1, sem_mn):
    wid = lax.axis_index("s") * _NC + lax.axis_index("c")
    base = wid * _BPW

    ci_u = pltpu.async_copy(uid_hbm.at[pl.ds(base, _BPW)], uid_v, sem_u)
    ci_m = pltpu.async_copy(mid_hbm.at[pl.ds(base, _BPW)], mid_v, sem_m)
    zidx_v[...] = jnp.zeros((_L,), jnp.int32)
    c_mn = pltpu.async_copy(mean_hbm.at[zidx_v], mean_v, sem_mn)

    ci_u.wait()
    cu0 = pltpu.async_copy(utab_hbm.at[uid_v.at[pl.ds(0, _C0)]],
                           ub_v.at[pl.ds(0, _C0)], sem_u)
    cu1 = pltpu.async_copy(utab_hbm.at[uid_v.at[pl.ds(_C0, _C1)]],
                           ub_v.at[pl.ds(_C0, _C1)], sem_u1)
    ci_m.wait()
    cm0 = pltpu.async_copy(mtab_hbm.at[mid_v.at[pl.ds(0, _C0)]],
                           mb_v.at[pl.ds(0, _C0)], sem_m)
    cm1 = pltpu.async_copy(mtab_hbm.at[mid_v.at[pl.ds(_C0, _C1)]],
                           mb_v.at[pl.ds(_C0, _C1)], sem_m1)
    c_mn.wait()
    mean_vec = mean_v[...]

    def step(i, carry):
        sl = pl.ds(i * _L, _L)
        ub_v[sl] = ub_v[sl] + mb_v[sl] + mean_vec
        return carry

    cu0.wait()
    cm0.wait()
    lax.fori_loop(0, _C0 // _L, step, 0)
    cw0 = pltpu.async_copy(ub_v.at[pl.ds(0, _C0)],
                           out_hbm.at[pl.ds(base, _C0)], sem_mn)
    cu1.wait()
    cm1.wait()
    lax.fori_loop(_C0 // _L, _BPW // _L, step, 0)
    cw1 = pltpu.async_copy(ub_v.at[pl.ds(_C0, _C1)],
                           out_hbm.at[pl.ds(base + _C0, _C1)], sem_u)
    cw0.wait()
    cw1.wait()


@jax.jit
def _run(uid, mid, utab, mtab, mean1):
    mesh = plsc.VectorSubcoreMesh(core_axis_name="c", subcore_axis_name="s",
                                  num_cores=_NC)
    k = functools.partial(
        pl.kernel,
        mesh=mesh,
        out_type=jax.ShapeDtypeStruct((BATCH,), jnp.float32),
        scratch_types=[
            pltpu.VMEM((_BPW,), jnp.int32),
            pltpu.VMEM((_BPW,), jnp.int32),
            pltpu.VMEM((_BPW,), jnp.float32),
            pltpu.VMEM((_BPW,), jnp.float32),
            pltpu.VMEM((_L,), jnp.int32),
            pltpu.VMEM((_L,), jnp.float32),
            pltpu.SemaphoreType.DMA,
            pltpu.SemaphoreType.DMA,
            pltpu.SemaphoreType.DMA,
            pltpu.SemaphoreType.DMA,
            pltpu.SemaphoreType.DMA,
        ],
    )(_mean_model_sc)
    return k(uid, mid, utab, mtab, mean1)


def kernel(userId, movieId, user_table, movie_table, mean):
    uid = userId.astype(jnp.int32)
    mid = movieId.astype(jnp.int32)
    mean1 = jnp.asarray(mean, jnp.float32).reshape((1,))
    return _run(uid, mid, user_table, movie_table, mean1)

# --- scband reference (transcript-rebuilt; emitter-appended) ---
"""Pipeline reference for scband-mean-model-35682588295199 (READ-ONLY COPY).

The authoritative reference and input builder live on the scoring server;
editing this copy changes nothing except your own understanding.
"""

import jax, jax.numpy as jnp
import numpy as np

NUM_USERS = 1000000
NUM_MOVIES = 100000
BATCH = 16384
GLOBAL_MEAN = 3.5

def setup_inputs(seed: int = 0) -> dict:
    key = jax.random.key(seed)
    k1, k2, k3, k4 = jax.random.split(key, 4)
    userId = jax.random.randint(k1, (BATCH,), 0, NUM_USERS, dtype=jnp.int64) if jax.config.read('jax_enable_x64') else jax.random.randint(k1, (BATCH,), 0, NUM_USERS)
    movieId = jax.random.randint(k2, (BATCH,), 0, NUM_MOVIES)
    # Learned per-id bias tables (the user_mean_model / movie_mean_model submodules
    # are modeled as 1-dim bias embedding lookups).
    user_table = jax.random.normal(k3, (NUM_USERS,), dtype=jnp.float32) * 0.1
    movie_table = jax.random.normal(k4, (NUM_MOVIES,), dtype=jnp.float32) * 0.1
    mean = jnp.asarray(GLOBAL_MEAN, dtype=jnp.float32)
    return {"userId": userId, "movieId": movieId, "user_table": user_table, "movie_table": movie_table, "mean": mean}

def reference(userId, movieId, user_table, movie_table, mean):
    # MeanModel.call: global mean + user bias lookup + movie bias lookup
    user_bias = jnp.take(user_table, userId, axis=0)
    movie_bias = jnp.take(movie_table, movieId, axis=0)
    return mean + user_bias + movie_bias

if __name__ == "__main__":
    import jax
    _d = setup_inputs()
    print(jax.jit(kernel)(*tuple(_d.values())))

</pallas_src>

<mosaic_0001>
#map = affine_map<(d0, d1) -> (0)>
module attributes {stable_mosaic.version = 14 : i64} {
  func.func @_mean_model_sc(%arg0: i32, %arg1: i32, %arg2: memref<16384xi32, #tpu.memory_space<hbm>>, %arg3: memref<16384xi32, #tpu.memory_space<hbm>>, %arg4: memref<1000000xf32, #tpu.memory_space<hbm>>, %arg5: memref<100000xf32, #tpu.memory_space<hbm>>, %arg6: memref<1xf32, #tpu.memory_space<hbm>>, %arg7: memref<16384xf32, #tpu.memory_space<hbm>>, %arg8: memref<1024xi32, #tpu.memory_space<vmem>>, %arg9: memref<1024xi32, #tpu.memory_space<vmem>>, %arg10: memref<1024xf32, #tpu.memory_space<vmem>>, %arg11: memref<1024xf32, #tpu.memory_space<vmem>>, %arg12: memref<16xi32, #tpu.memory_space<vmem>>, %arg13: memref<16xf32, #tpu.memory_space<vmem>>, %arg14: memref<!tpu.dma_semaphore, #tpu.memory_space<semaphore_mem>>, %arg15: memref<!tpu.dma_semaphore, #tpu.memory_space<semaphore_mem>>, %arg16: memref<!tpu.dma_semaphore, #tpu.memory_space<semaphore_mem>>, %arg17: memref<!tpu.dma_semaphore, #tpu.memory_space<semaphore_mem>>, %arg18: memref<!tpu.dma_semaphore, #tpu.memory_space<semaphore_mem>>) attributes {dimension_semantics = [#tpu.dimension_semantics<core_parallel>, #tpu.dimension_semantics<subcore_parallel>], iteration_bounds = array<i64: 1, 16>, scalar_prefetch = 0 : i64, scratch_operands = 11 : i64, tpu.core_type = #tpu.core_type<sc_vector_subcore>, window_params = [{transform_indices = #map}, {transform_indices = #map}, {transform_indices = #map}, {transform_indices = #map}, {transform_indices = #map}, {transform_indices = #map}]} {
    %mul3A = arith.constant 1 : i32
    %mul3A_0 = arith.muli %arg1, %mul3A : i32
    %add3A = arith.addi %mul3A_0, %arg0 : i32
    %mul3A_1 = arith.constant 1024 : i32
    %mul3A_2 = arith.muli %add3A, %mul3A_1 : i32
    %dma_start3A = tpu.memref_slice %arg2[%mul3A_2] : memref<16384xi32, #tpu.memory_space<hbm>> -> memref<1024xi32, #tpu.memory_space<hbm>>
    %dma_start3A_3 = tpu.memref_slice %arg2[%mul3A_2] : memref<16384xi32, #tpu.memory_space<hbm>> -> memref<1024xi32, #tpu.memory_space<hbm>>
    tpu.enqueue_dma source(%dma_start3A_3 : memref<1024xi32, #tpu.memory_space<hbm>>) target(%arg8 : memref<1024xi32, #tpu.memory_space<vmem>>) target_semaphore(%arg14 : memref<!tpu.dma_semaphore, #tpu.memory_space<semaphore_mem>>)
    %dma_start3A_4 = tpu.memref_slice %arg3[%mul3A_2] : memref<16384xi32, #tpu.memory_space<hbm>> -> memref<1024xi32, #tpu.memory_space<hbm>>
    %dma_start3A_5 = tpu.memref_slice %arg3[%mul3A_2] : memref<16384xi32, #tpu.memory_space<hbm>> -> memref<1024xi32, #tpu.memory_space<hbm>>
    tpu.enqueue_dma source(%dma_start3A_5 : memref<1024xi32, #tpu.memory_space<hbm>>) target(%arg9 : memref<1024xi32, #tpu.memory_space<vmem>>) target_semaphore(%arg15 : memref<!tpu.dma_semaphore, #tpu.memory_space<semaphore_mem>>)
    %broadcast_in_dim3A = arith.constant 0 : i32
    %broadcast_in_dim3A_6 = vector.broadcast %broadcast_in_dim3A : i32 to vector<16xi32>
    %swap3A = arith.constant 0 : index
    %swap3A_7 = tpu.vector_load %arg12[%swap3A] {strides = array<i32>} : memref<16xi32, #tpu.memory_space<vmem>>, vector<16xi32>,
    %swap3A_8 = vector.shape_cast %swap3A_7 : vector<16xi32> to vector<16xi32>
    %swap3A_9 = vector.shape_cast %broadcast_in_dim3A_6 : vector<16xi32> to vector<16xi32>
    tpu.vector_store %arg12[%swap3A], %swap3A_9 {strides = array<i32>} : memref<16xi32, #tpu.memory_space<vmem>>, vector<16xi32>,
    %dma_start3A_10 = arith.constant 0 : i32
    %dma_start3A_11 = tpu.memref_slice %arg6[%dma_start3A_10] : memref<1xf32, #tpu.memory_space<hbm>> -> memref<1xf32, #tpu.memory_space<hbm>>
    tpu.enqueue_indirect_dma source(%dma_start3A_11 : memref<1xf32, #tpu.memory_space<hbm>>) target(%arg13 : memref<16xf32, #tpu.memory_space<vmem>>) offsets(%arg12 : memref<16xi32, #tpu.memory_space<vmem>>) semaphore(%arg18 : memref<!tpu.dma_semaphore, #tpu.memory_space<semaphore_mem>>)
    %dma_wait3A = tpu.memref_slice %arg2[%mul3A_2] : memref<16384xi32, #tpu.memory_space<hbm>> -> memref<1024xi32, #tpu.memory_space<hbm>>
    %dma_wait3A_12 = tpu.memref_slice %arg2[%mul3A_2] : memref<16384xi32, #tpu.memory_space<hbm>> -> memref<1024xi32, #tpu.memory_space<hbm>>
    tpu.wait_dma2 semaphore(%arg14 : memref<!tpu.dma_semaphore, #tpu.memory_space<semaphore_mem>>) src(%dma_wait3A_12 : memref<1024xi32, #tpu.memory_space<hbm>>) dst(%arg8 : memref<1024xi32, #tpu.memory_space<vmem>>)
    %dma_start3A_13 = arith.constant 0 : i32
    %dma_start3A_14 = tpu.memref_slice %arg10[%dma_start3A_13] : memref<1024xf32, #tpu.memory_space<vmem>> -> memref<512xf32, #tpu.memory_space<vmem>>
    %dma_start3A_15 = arith.constant 0 : i32
    %dma_start3A_16 = tpu.memref_slice %arg8[%dma_start3A_15] : memref<1024xi32, #tpu.memory_space<vmem>> -> memref<512xi32, #tpu.memory_space<vmem>>
    %dma_start3A_17 = arith.constant 0 : i32
    %dma_start3A_18 = tpu.memref_slice %arg4[%dma_start3A_17] : memref<1000000xf32, #tpu.memory_space<hbm>> -> memref<1000000xf32, #tpu.memory_space<hbm>>
    tpu.enqueue_indirect_dma source(%dma_start3A_18 : memref<1000000xf32, #tpu.memory_space<hbm>>) target(%dma_start3A_14 : memref<512xf32, #tpu.memory_space<vmem>>) offsets(%dma_start3A_16 : memref<512xi32, #tpu.memory_space<vmem>>) semaphore(%arg14 : memref<!tpu.dma_semaphore, #tpu.memory_space<semaphore_mem>>)
    %dma_start3A_19 = arith.constant 512 : i32
    %dma_start3A_20 = tpu.memref_slice %arg10[%dma_start3A_19] : memref<1024xf32, #tpu.memory_space<vmem>> -> memref<512xf32, #tpu.memory_space<vmem>>
    %dma_start3A_21 = arith.constant 512 : i32
    %dma_start3A_22 = tpu.memref_slice %arg8[%dma_start3A_21] : memref<1024xi32, #tpu.memory_space<vmem>> -> memref<512xi32, #tpu.memory_space<vmem>>
    %dma_start3A_23 = arith.constant 0 : i32
    %dma_start3A_24 = tpu.memref_slice %arg4[%dma_start3A_23] : memref<1000000xf32, #tpu.memory_space<hbm>> -> memref<1000000xf32, #tpu.memory_space<hbm>>
    tpu.enqueue_indirect_dma source(%dma_start3A_24 : memref<1000000xf32, #tpu.memory_space<hbm>>) target(%dma_start3A_20 : memref<512xf32, #tpu.memory_space<vmem>>) offsets(%dma_start3A_22 : memref<512xi32, #tpu.memory_space<vmem>>) semaphore(%arg16 : memref<!tpu.dma_semaphore, #tpu.memory_space<semaphore_mem>>)
    %dma_wait3A_25 = tpu.memref_slice %arg3[%mul3A_2] : memref<16384xi32, #tpu.memory_space<hbm>> -> memref<1024xi32, #tpu.memory_space<hbm>>
    %dma_wait3A_26 = tpu.memref_slice %arg3[%mul3A_2] : memref<16384xi32, #tpu.memory_space<hbm>> -> memref<1024xi32, #tpu.memory_space<hbm>>
    tpu.wait_dma2 semaphore(%arg15 : memref<!tpu.dma_semaphore, #tpu.memory_space<semaphore_mem>>) src(%dma_wait3A_26 : memref<1024xi32, #tpu.memory_space<hbm>>) dst(%arg9 : memref<1024xi32, #tpu.memory_space<vmem>>)
    %dma_start3A_27 = arith.constant 0 : i32
    %dma_start3A_28 = tpu.memref_slice %arg11[%dma_start3A_27] : memref<1024xf32, #tpu.memory_space<vmem>> -> memref<512xf32, #tpu.memory_space<vmem>>
    %dma_start3A_29 = arith.constant 0 : i32
    %dma_start3A_30 = tpu.memref_slice %arg9[%dma_start3A_29] : memref<1024xi32, #tpu.memory_space<vmem>> -> memref<512xi32, #tpu.memory_space<vmem>>
    %dma_start3A_31 = arith.constant 0 : i32
    %dma_start3A_32 = tpu.memref_slice %arg5[%dma_start3A_31] : memref<100000xf32, #tpu.memory_space<hbm>> -> memref<100000xf32, #tpu.memory_space<hbm>>
    tpu.enqueue_indirect_dma source(%dma_start3A_32 : memref<100000xf32, #tpu.memory_space<hbm>>) target(%dma_start3A_28 : memref<512xf32, #tpu.memory_space<vmem>>) offsets(%dma_start3A_30 : memref<512xi32, #tpu.memory_space<vmem>>) semaphore(%arg15 : memref<!tpu.dma_semaphore, #tpu.memory_space<semaphore_mem>>)
    %dma_start3A_33 = arith.constant 512 : i32
    %dma_start3A_34 = tpu.memref_slice %arg11[%dma_start3A_33] : memref<1024xf32, #tpu.memory_space<vmem>> -> memref<512xf32, #tpu.memory_space<vmem>>
    %dma_start3A_35 = arith.constant 512 : i32
    %dma_start3A_36 = tpu.memref_slice %arg9[%dma_start3A_35] : memref<1024xi32, #tpu.memory_space<vmem>> -> memref<512xi32, #tpu.memory_space<vmem>>
    %dma_start3A_37 = arith.constant 0 : i32
    %dma_start3A_38 = tpu.memref_slice %arg5[%dma_start3A_37] : memref<100000xf32, #tpu.memory_space<hbm>> -> memref<100000xf32, #tpu.memory_space<hbm>>
    tpu.enqueue_indirect_dma source(%dma_start3A_38 : memref<100000xf32, #tpu.memory_space<hbm>>) target(%dma_start3A_34 : memref<512xf32, #tpu.memory_space<vmem>>) offsets(%dma_start3A_36 : memref<512xi32, #tpu.memory_space<vmem>>) semaphore(%arg17 : memref<!tpu.dma_semaphore, #tpu.memory_space<semaphore_mem>>)
    %dma_wait3A_39 = arith.constant 0 : i32
    %dma_wait3A_40 = tpu.memref_slice %arg6[%dma_wait3A_39] : memref<1xf32, #tpu.memory_space<hbm>> -> memref<1xf32, #tpu.memory_space<hbm>>
    tpu.wait_indirect_dma semaphore(%arg18 : memref<!tpu.dma_semaphore, #tpu.memory_space<semaphore_mem>>) src(%dma_wait3A_40 : memref<1xf32, #tpu.memory_space<hbm>>) dst(%arg13 : memref<16xf32, #tpu.memory_space<vmem>>)
    %get3A = arith.constant 0 : index
    %get3A_41 = tpu.vector_load %arg13[%get3A] {strides = array<i32>} : memref<16xf32, #tpu.memory_space<vmem>>, vector<16xf32>,
    %get3A_42 = vector.shape_cast %get3A_41 : vector<16xf32> to vector<16xf32>
    %dma_wait3A_43 = arith.constant 0 : i32
    %dma_wait3A_44 = tpu.memref_slice %arg10[%dma_wait3A_43] : memref<1024xf32, #tpu.memory_space<vmem>> -> memref<512xf32, #tpu.memory_space<vmem>>
    %dma_wait3A_45 = arith.constant 0 : i32
    %dma_wait3A_46 = tpu.memref_slice %arg8[%dma_wait3A_45] : memref<1024xi32, #tpu.memory_space<vmem>> -> memref<512xi32, #tpu.memory_space<vmem>>
    %dma_wait3A_47 = arith.constant 0 : i32
    %dma_wait3A_48 = tpu.memref_slice %arg4[%dma_wait3A_47] : memref<1000000xf32, #tpu.memory_space<hbm>> -> memref<1000000xf32, #tpu.memory_space<hbm>>
    tpu.wait_indirect_dma semaphore(%arg14 : memref<!tpu.dma_semaphore, #tpu.memory_space<semaphore_mem>>) src(%dma_wait3A_48 : memref<1000000xf32, #tpu.memory_space<hbm>>) dst(%dma_wait3A_44 : memref<512xf32, #tpu.memory_space<vmem>>)
    %dma_wait3A_49 = arith.constant 0 : i32
    %dma_wait3A_50 = tpu.memref_slice %arg11[%dma_wait3A_49] : memref<1024xf32, #tpu.memory_space<vmem>> -> memref<512xf32, #tpu.memory_space<vmem>>
    %dma_wait3A_51 = arith.constant 0 : i32
    %dma_wait3A_52 = tpu.memref_slice %arg9[%dma_wait3A_51] : memref<1024xi32, #tpu.memory_space<vmem>> -> memref<512xi32, #tpu.memory_space<vmem>>
    %dma_wait3A_53 = arith.constant 0 : i32
    %dma_wait3A_54 = tpu.memref_slice %arg5[%dma_wait3A_53] : memref<100000xf32, #tpu.memory_space<hbm>> -> memref<100000xf32, #tpu.memory_space<hbm>>
    tpu.wait_indirect_dma semaphore(%arg15 : memref<!tpu.dma_semaphore, #tpu.memory_space<semaphore_mem>>) src(%dma_wait3A_54 : memref<100000xf32, #tpu.memory_space<hbm>>) dst(%dma_wait3A_50 : memref<512xf32, #tpu.memory_space<vmem>>)
    %scan3A = arith.constant 0 : i32
    %scan3A_55 = arith.constant 0 : i32
    %scan3A_56 = arith.constant 32 : i32
    %scan3A_57 = arith.addi %scan3A_55, %scan3A_56 : i32
    %scan3A_58 = arith.constant 1 : i32
    scf.for %scan3A_104 = %scan3A_55 to %scan3A_57 step %scan3A_58  : i32 {
      %mul3A_105 = arith.constant 16 : i32
      %mul3A_106 = arith.muli %scan3A_104, %mul3A_105 : i32
      %get3A_107 = arith.index_cast %mul3A_106 : i32 to index
      %get3A_108 = tpu.vector_load %arg10[%get3A_107] {strides = array<i32>} : memref<1024xf32, #tpu.memory_space<vmem>>, vector<16xf32>,
      %get3A_109 = vector.shape_cast %get3A_108 : vector<16xf32> to vector<16xf32>
      %get3A_110 = arith.index_cast %mul3A_106 : i32 to index
      %get3A_111 = tpu.vector_load %arg11[%get3A_110] {strides = array<i32>} : memref<1024xf32, #tpu.memory_space<vmem>>, vector<16xf32>,
      %get3A_112 = vector.shape_cast %get3A_111 : vector<16xf32> to vector<16xf32>
      %add3A_113 = arith.addf %get3A_109, %get3A_112 : vector<16xf32>
      %add3A_114 = arith.addf %add3A_113, %get3A_42 : vector<16xf32>
      %swap3A_115 = arith.index_cast %mul3A_106 : i32 to index
      %swap3A_116 = tpu.vector_load %arg10[%swap3A_115] {strides = array<i32>} : memref<1024xf32, #tpu.memory_space<vmem>>, vector<16xf32>,
      %swap3A_117 = vector.shape_cast %swap3A_116 : vector<16xf32> to vector<16xf32>
      %swap3A_118 = vector.shape_cast %add3A_114 : vector<16xf32> to vector<16xf32>
      tpu.vector_store %arg10[%swap3A_115], %swap3A_118 {strides = array<i32>} : memref<1024xf32, #tpu.memory_space<vmem>>, vector<16xf32>,
    }
    %scan3A_59 = arith.constant 32 : i32
    %dma_start3A_60 = arith.constant 0 : i32
    %dma_start3A_61 = tpu.memref_slice %arg10[%dma_start3A_60] : memref<1024xf32, #tpu.memory_space<vmem>> -> memref<512xf32, #tpu.memory_space<vmem>>
    %dma_start3A_62 = tpu.memref_slice %arg7[%mul3A_2] : memref<16384xf32, #tpu.memory_space<hbm>> -> memref<512xf32, #tpu.memory_space<hbm>>
    %dma_start3A_63 = tpu.memref_slice %arg7[%mul3A_2] : memref<16384xf32, #tpu.memory_space<hbm>> -> memref<512xf32, #tpu.memory_space<hbm>>
    %dma_start3A_64 = arith.constant 0 : i32
    %dma_start3A_65 = tpu.memref_slice %arg10[%dma_start3A_64] : memref<1024xf32, #tpu.memory_space<vmem>> -> memref<512xf32, #tpu.memory_space<vmem>>
    tpu.enqueue_dma source(%dma_start3A_65 : memref<512xf32, #tpu.memory_space<vmem>>) target(%dma_start3A_63 : memref<512xf32, #tpu.memory_space<hbm>>) target_semaphore(%arg18 : memref<!tpu.dma_semaphore, #tpu.memory_space<semaphore_mem>>)
    %dma_wait3A_66 = arith.constant 512 : i32
    %dma_wait3A_67 = tpu.memref_slice %arg10[%dma_wait3A_66] : memref<1024xf32, #tpu.memory_space<vmem>> -> memref<512xf32, #tpu.memory_space<vmem>>
    %dma_wait3A_68 = arith.constant 512 : i32
    %dma_wait3A_69 = tpu.memref_slice %arg8[%dma_wait3A_68] : memref<1024xi32, #tpu.memory_space<vmem>> -> memref<512xi32, #tpu.memory_space<vmem>>
    %dma_wait3A_70 = arith.constant 0 : i32
    %dma_wait3A_71 = tpu.memref_slice %arg4[%dma_wait3A_70] : memref<1000000xf32, #tpu.memory_space<hbm>> -> memref<1000000xf32, #tpu.memory_space<hbm>>
    tpu.wait_indirect_dma semaphore(%arg16 : memref<!tpu.dma_semaphore, #tpu.memory_space<semaphore_mem>>) src(%dma_wait3A_71 : memref<1000000xf32, #tpu.memory_space<hbm>>) dst(%dma_wait3A_67 : memref<512xf32, #tpu.memory_space<vmem>>)
    %dma_wait3A_72 = arith.constant 512 : i32
    %dma_wait3A_73 = tpu.memref_slice %arg11[%dma_wait3A_72] : memref<1024xf32, #tpu.memory_space<vmem>> -> memref<512xf32, #tpu.memory_space<vmem>>
    %dma_wait3A_74 = arith.constant 512 : i32
    %dma_wait3A_75 = tpu.memref_slice %arg9[%dma_wait3A_74] : memref<1024xi32, #tpu.memory_space<vmem>> -> memref<512xi32, #tpu.memory_space<vmem>>
    %dma_wait3A_76 = arith.constant 0 : i32
    %dma_wait3A_77 = tpu.memref_slice %arg5[%dma_wait3A_76] : memref<100000xf32, #tpu.memory_space<hbm>> -> memref<100000xf32, #tpu.memory_space<hbm>>
    tpu.wait_indirect_dma semaphore(%arg17 : memref<!tpu.dma_semaphore, #tpu.memory_space<semaphore_mem>>) src(%dma_wait3A_77 : memref<100000xf32, #tpu.memory_space<hbm>>) dst(%dma_wait3A_73 : memref<512xf32, #tpu.memory_space<vmem>>)
    %scan3A_78 = arith.constant 0 : i32
    %scan3A_79 = arith.constant 32 : i32
    %scan3A_80 = arith.constant 32 : i32
    %scan3A_81 = arith.addi %scan3A_79, %scan3A_80 : i32
    %scan3A_82 = arith.constant 1 : i32
    scf.for %scan3A_104 = %scan3A_79 to %scan3A_81 step %scan3A_82  : i32 {
      %mul3A_105 = arith.constant 16 : i32
      %mul3A_106 = arith.muli %scan3A_104, %mul3A_105 : i32
      %get3A_107 = arith.index_cast %mul3A_106 : i32 to index
      %get3A_108 = tpu.vector_load %arg10[%get3A_107] {strides = array<i32>} : memref<1024xf32, #tpu.memory_space<vmem>>, vector<16xf32>,
      %get3A_109 = vector.shape_cast %get3A_108 : vector<16xf32> to vector<16xf32>
      %get3A_110 = arith.index_cast %mul3A_106 : i32 to index
      %get3A_111 = tpu.vector_load %arg11[%get3A_110] {strides = array<i32>} : memref<1024xf32, #tpu.memory_space<vmem>>, vector<16xf32>,
      %get3A_112 = vector.shape_cast %get3A_111 : vector<16xf32> to vector<16xf32>
      %add3A_113 = arith.addf %get3A_109, %get3A_112 : vector<16xf32>
      %add3A_114 = arith.addf %add3A_113, %get3A_42 : vector<16xf32>
      %swap3A_115 = arith.index_cast %mul3A_106 : i32 to index
      %swap3A_116 = tpu.vector_load %arg10[%swap3A_115] {strides = array<i32>} : memref<1024xf32, #tpu.memory_space<vmem>>, vector<16xf32>,
      %swap3A_117 = vector.shape_cast %swap3A_116 : vector<16xf32> to vector<16xf32>
      %swap3A_118 = vector.shape_cast %add3A_114 : vector<16xf32> to vector<16xf32>
      tpu.vector_store %arg10[%swap3A_115], %swap3A_118 {strides = array<i32>} : memref<1024xf32, #tpu.memory_space<vmem>>, vector<16xf32>,
    }
    %scan3A_83 = arith.constant 32 : i32
    %add3A_84 = arith.constant 512 : i32
    %add3A_85 = arith.addi %mul3A_2, %add3A_84 : i32
    %dma_start3A_86 = arith.constant 512 : i32
    %dma_start3A_87 = tpu.memref_slice %arg10[%dma_start3A_86] : memref<1024xf32, #tpu.memory_space<vmem>> -> memref<512xf32, #tpu.memory_space<vmem>>
    %dma_start3A_88 = tpu.memref_slice %arg7[%add3A_85] : memref<16384xf32, #tpu.memory_space<hbm>> -> memref<512xf32, #tpu.memory_space<hbm>>
    %dma_start3A_89 = tpu.memref_slice %arg7[%add3A_85] : memref<16384xf32, #tpu.memory_space<hbm>> -> memref<512xf32, #tpu.memory_space<hbm>>
    %dma_start3A_90 = arith.constant 512 : i32
    %dma_start3A_91 = tpu.memref_slice %arg10[%dma_start3A_90] : memref<1024xf32, #tpu.memory_space<vmem>> -> memref<512xf32, #tpu.memory_space<vmem>>
    tpu.enqueue_dma source(%dma_start3A_91 : memref<512xf32, #tpu.memory_space<vmem>>) target(%dma_start3A_89 : memref<512xf32, #tpu.memory_space<hbm>>) target_semaphore(%arg14 : memref<!tpu.dma_semaphore, #tpu.memory_space<semaphore_mem>>)
    %dma_wait3A_92 = arith.constant 0 : i32
    %dma_wait3A_93 = tpu.memref_slice %arg10[%dma_wait3A_92] : memref<1024xf32, #tpu.memory_space<vmem>> -> memref<512xf32, #tpu.memory_space<vmem>>
    %dma_wait3A_94 = tpu.memref_slice %arg7[%mul3A_2] : memref<16384xf32, #tpu.memory_space<hbm>> -> memref<512xf32, #tpu.memory_space<hbm>>
    %dma_wait3A_95 = tpu.memref_slice %arg7[%mul3A_2] : memref<16384xf32, #tpu.memory_space<hbm>> -> memref<512xf32, #tpu.memory_space<hbm>>
    %dma_wait3A_96 = arith.constant 0 : i32
    %dma_wait3A_97 = tpu.memref_slice %arg10[%dma_wait3A_96] : memref<1024xf32, #tpu.memory_space<vmem>> -> memref<512xf32, #tpu.memory_space<vmem>>
    tpu.wait_dma2 semaphore(%arg18 : memref<!tpu.dma_semaphore, #tpu.memory_space<semaphore_mem>>) src(%dma_wait3A_97 : memref<512xf32, #tpu.memory_space<vmem>>) dst(%dma_wait3A_95 : memref<512xf32, #tpu.memory_space<hbm>>)
    %dma_wait3A_98 = arith.constant 512 : i32
    %dma_wait3A_99 = tpu.memref_slice %arg10[%dma_wait3A_98] : memref<1024xf32, #tpu.memory_space<vmem>> -> memref<512xf32, #tpu.memory_space<vmem>>
    %dma_wait3A_100 = tpu.memref_slice %arg7[%add3A_85] : memref<16384xf32, #tpu.memory_space<hbm>> -> memref<512xf32, #tpu.memory_space<hbm>>
    %dma_wait3A_101 = tpu.memref_slice %arg7[%add3A_85] : memref<16384xf32, #tpu.memory_space<hbm>> -> memref<512xf32, #tpu.memory_space<hbm>>
    %dma_wait3A_102 = arith.constant 512 : i32
    %dma_wait3A_103 = tpu.memref_slice %arg10[%dma_wait3A_102] : memref<1024xf32, #tpu.memory_space<vmem>> -> memref<512xf32, #tpu.memory_space<vmem>>
    tpu.wait_dma2 semaphore(%arg14 : memref<!tpu.dma_semaphore, #tpu.memory_space<semaphore_mem>>) src(%dma_wait3A_103 : memref<512xf32, #tpu.memory_space<vmem>>) dst(%dma_wait3A_101 : memref<512xf32, #tpu.memory_space<hbm>>)
    return
  }
}

</mosaic_0001>

<sc_bundles>
// kernel: _run.3.cloned.1.call-start
scs
__scs_entry_jumppad:
0x0: {  	(pc) =	sbr.rel $0x88, $3  }
0x1: {  	(tag) =	ssettag $0x0;
	lr =	simm.s32 $0x1  }
0x2: {  	[smem:$0x3F9C] =	sst lr;
	_ =	strace $0xD0000000  }
0x3: {  	_ = 	snop  }
0x4: {  	_ = 	snop  }
0x5: {  	_ = 	snop  }
0x6: {  	_ = 	snop  }
0x7: {  	_ = 	snop  }
__scs_overlays_trampoline_lowered:
0x8: {  	[smem:$0x3FAB] =	sst s0  }
0x9: {  	[smem:$0x3FAC] =	sst s1  }
0xa: {  	[smem:$0x3FAD] =	sst s2  }
0xb: {  	[smem:$0x3FAE] =	sst s3  }
0xc: {  	[smem:$0x3FAF] =	sst s4  }
0xd: {  	[smem:$0x3FB0] =	sst s5  }
0xe: {  	[smem:$0x3FB1] =	sst s6  }
0xf: {  	[smem:$0x3FB2] =	sst s7  }
0x10: {  	[smem:$0x3FB3] =	sst s8  }
0x11: {  	[smem:$0x3FB4] =	sst s9;
	s0 =	simm.s32 @!p0 $0x0  }
0x12: {  	s1 =	sld [smem:$0x3F9A];
	s0 =	simm.s32 @p0 $0x1  }
0x13: {  	[smem:$0x3FB5] =	sst s0;
	s0 =	simm.s32 @!p1 $0x0  }
0x14: {  	s2 =	sld [smem:$0x3F99];
	s0 =	simm.s32 @p1 $0x1  }
0x15: {  	[smem:$0x3FB6] =	sst s0;
	s0 =	simm.s32 @!p2 $0x0  }
0x16: {  	s3 =	sld [smem:$0x3FDB];
	s0 =	simm.s32 @p2 $0x1  }
0x17: {  	s4 =	simm.s32 $0x1BF5;
	[smem:$0x3FB8] =	sst s0  }
0x18: {  	s0 =	sld [smem:$0x3F9B];
	_ =	swait.ge [sflag:s4], $0x0  }
0x19: {  	s7 =	sld [smem:$0x3F9C]  }
0x1a: {  	s8 =	sadd.s32 $0xFFFFE003, lr  }
0x1b: {  	s9 =	sadd.s32 $0xFFFFFEF7, lr;
	s5 =	simm.s32 $0xFFFFFFFF;
	p2 =	slt.u32 s8, $0xFFFFF086  }
0x1c: {  	p1 =	slt.u32 s9, $0xF7A;
	s5 =	simm.s32 @!p2 $0x0  }
0x1d: {  	s5 =	simm.s32 @p1 $0x1;
	p0 =	seq.s32 s7, s2  }
0x1e: {  	s7 =	smul.u32 @!p0 $0xF7A, s2;
	p2 =	seq.s32 @!p0 s5, $0x0  }
0x1f: {  	s9 =	smul.u32 $0xF7A, s1;
	s8 =	simm.s32 @!p0 $0x1BF5;
	p2 =	por !p2, p0  }
0x20: {  	[sflag:s8] =	ssyncset.s32 @!p0 $0xFFFFF086;
	s6 =	sadd.s32 @!p0 s3, s7;
	s7 =	simm.s32 @!p0 $0x108  }
0x21: {  	s3 =	sadd.s32 s3, s9;
	s6 =	sadd.s32 @!p0 $0x88, s6;
	s7 =	simm.s32 @p2 $0x1082  }
0x22: {  	[simem:s7], [sflag:s8] =	dma.local @!p0 [hbm:s6], $0xF7A  }
0x23: {  	s9 =	sor.u32 $0xD0000000, s2;
	s6 =	simm.s32 $0x108;
	_ =	swait.ge @!p0 [sflag:s8], $0x0  }
0x24: {  	s3 =	sadd.s32 $0x88, s3;
	s6 =	simm.s32 @!p1 $0x1082;
	[sflag:s4] =	ssyncset.s32 $0xFFFFF086  }
0x25: {  	[simem:s6], [sflag:s4] =	dma.local [hbm:s3], $0xF7A  }
0x26: {  	[smem:$0x3F9C] =	sst s1;
	(tag) =	ssettag s2;
	_ =	strace s9  }
0x27: {  	s1 =	sld [smem:$0x3FAC]  }
0x28: {  	s2 =	sld [smem:$0x3FAD]  }
0x29: {  	s4 =	sld [smem:$0x3FAF]  }
0x2a: {  	p0 =	seq.s32 s5, $0x0;
	s5 =	sld [smem:$0x3FB0]  }
0x2b: {  	s6 =	sld [smem:$0x3FB1]  }
0x2c: {  	s7 =	sld [smem:$0x3FB2]  }
0x2d: {  	s3 =	simm.s32 $0x108;
	s8 =	sld [smem:$0x3FB3]  }
0x2e: {  	s3 =	simm.s32 @!p0 $0x1082;
	s9 =	sld [smem:$0x3FB4]  }
0x2f: {  	lr =	sadd.s32 s0, s3;
	s0 =	sld [smem:$0x3FAB]  }
0x30: {  	s3 =	sld [smem:$0x3FAE]  }
0x31: {  	[smem:$0x3FB7] =	sst s10  }
0x32: {  	s10 =	sld [smem:$0x3FB5];
	_ =	sdelay $0x3  }
0x33: {  	p0 =	seq.s32 s10, $0x1;
	s10 =	sld [smem:$0x3FB7];
	_ =	sdelay $0x3  }
0x34: {  	[smem:$0x3FB7] =	sst s10  }
0x35: {  	s10 =	sld [smem:$0x3FB6];
	_ =	sdelay $0x3  }
0x36: {  	p1 =	seq.s32 s10, $0x1;
	s10 =	sld [smem:$0x3FB7];
	_ =	sdelay $0x3  }
0x37: {  	[smem:$0x3FB7] =	sst s10  }
0x38: {  	s10 =	sld [smem:$0x3FB8]  }
0x39: {  	_ = 	snop;
	(pc) =	sbr.ind lr, $3  }
0x3a: {  	_ = 	snop  }
0x3b: {  	_ = 	snop  }
0x3c: {  	p2 =	seq.s32 s10, $0x1;
	s10 =	sld [smem:$0x3FB7]  }
0x3d: {  	_ =	shalt  }
0x3e: {  	_ =	shalt  }
0x3f: {  	_ =	shalt  }
0x40: {  	_ =	shalt  }
0x41: {  	_ =	shalt  }
0x42: {  	_ =	shalt  }
0x43: {  	_ =	shalt  }
0x44: {  	_ =	shalt  }
0x45: {  	_ =	shalt  }
0x46: {  	_ =	shalt  }
0x47: {  	_ =	shalt  }
0x48: {  	_ =	shalt  }
0x49: {  	_ =	shalt  }
0x4a: {  	_ =	shalt  }
0x4b: {  	_ =	shalt  }
0x4c: {  	_ =	shalt  }
0x4d: {  	_ =	shalt  }
0x4e: {  	_ =	shalt  }
0x4f: {  	_ =	shalt  }
0x50: {  	_ =	shalt  }
0x51: {  	_ =	shalt  }
0x52: {  	_ =	shalt  }
0x53: {  	_ =	shalt  }
0x54: {  	_ =	shalt  }
0x55: {  	_ =	shalt  }
0x56: {  	_ =	shalt  }
0x57: {  	_ =	shalt  }
0x58: {  	_ =	shalt  }
0x59: {  	_ =	shalt  }
0x5a: {  	_ =	shalt  }
0x5b: {  	_ =	shalt  }
0x5c: {  	_ =	shalt  }
0x5d: {  	_ =	shalt  }
0x5e: {  	_ =	shalt  }
0x5f: {  	_ =	shalt  }
0x60: {  	_ =	shalt  }
0x61: {  	_ =	shalt  }
0x62: {  	_ =	shalt  }
0x63: {  	_ =	shalt  }
0x64: {  	_ =	shalt  }
0x65: {  	_ =	shalt  }
0x66: {  	_ =	shalt  }
0x67: {  	_ =	shalt  }
0x68: {  	_ =	shalt  }
0x69: {  	_ =	shalt  }
0x6a: {  	_ =	shalt  }
0x6b: {  	_ =	shalt  }
0x6c: {  	_ =	shalt  }
0x6d: {  	_ =	shalt  }
0x6e: {  	_ =	shalt  }
0x6f: {  	_ =	shalt  }
0x70: {  	_ =	shalt  }
0x71: {  	_ =	shalt  }
0x72: {  	_ =	shalt  }
0x73: {  	_ =	shalt  }
0x74: {  	_ =	shalt  }
0x75: {  	_ =	shalt  }
0x76: {  	_ =	shalt  }
0x77: {  	_ =	shalt  }
0x78: {  	_ =	shalt  }
0x79: {  	_ =	shalt  }
0x7a: {  	_ =	shalt  }
0x7b: {  	_ =	shalt  }
0x7c: {  	_ =	shalt  }
0x7d: {  	_ =	shalt  }
0x7e: {  	_ =	shalt  }
0x7f: {  	_ =	shalt  }
0x80: {  	_ =	shalt  }
0x81: {  	_ =	shalt  }
0x82: {  	_ =	shalt  }
0x83: {  	_ =	shalt  }
0x84: {  	_ =	shalt  }
0x85: {  	_ =	shalt  }
0x86: {  	_ =	shalt  }
0x87: {  	_ =	shalt  }
.Lfunc_end0:
.L_simem_size_0:
called_computation_lowered:
.L_overlay_start_0:
0x88: {  	s0 =	sld [smem:$0x3FD9]  }
0x89: {  	s1 =	sld [smem:$0x3FFE];
	_ =	sdelay $0x3  }
0x8a: {  	s0 =	sadd.s32 s1, s0  }
0x8b: {  	[smem:$0x3FC3] =	sst s0  }
0x8c: {  	_ = 	snop  }
0x8d: {  	s0 =	sld [smem:$0x3FC9]  }
0x8e: {  	s17 =	sld [smem:$0x3FC8]  }
0x8f: {  	s2 =	sld [smem:$0x3FC7]  }
0x90: {  	s3 =	sld [smem:$0x3FC6]  }
0x91: {  	s4 =	sld [smem:$0x3FC5]  }
0x92: {  	s5 =	sld [smem:$0x3FD0];
	(tm) =	ssettm $0x1  }
0x93: {  	s6 =	sld [smem:$0x3FFB];
	_ =	sdelay $0x3  }
0x94: {  	_ =	strace s6  }
0x95: {  	s6 =	sld [smem:$0x3FFC];
	_ =	sdelay $0x3  }
0x96: {  	_ =	strace s6  }
0x97: {  	s6 =	sld [smem:$0x3FFD];
	_ =	sdelay $0x3  }
0x98: {  	_ =	strace s6  }
0x99: {  	_ =	strace $0x8FFFFFFF  }
0x9a: {  	s18 =	sld [smem:$0x3FDB];
	_ =	sdelay $0x1  }
0x9b: {  	s7 =	simm.s32 $_scs_section_size  }
0x9c: {  	s8 =	simm.s32 $_size__tile_overlayer_lowered;
	s9 =	simm.s32 $_tile_overlayer_lowered  }
0x9d: {  	s21 =	simm.s32 $0x1BFF;
	s20 =	sshll.u32 s9, $0x1;
	s6 =	sadd.s32 s7, s18  }
0x9e: {  	s10 =	simm.s32 $0x0;
	s19 =	sshll.u32 s8, $0x1;
	s8 =	sadd.s32 s20, s6  }
0x9f: {  	[timem:s10], [sflag:s21] =	dma.local [hbm:s8], s19  }
0xa0: {  	_ =	swait.ge [sflag:s21], s19  }
0xa1: {  	s7 =	ssub.s32 $0x0, s19;
	[sflag:s21] =	ssyncset.done $0x0  }
0xa2: {  	[sflag:s21] =	ssyncadd.s32 s7;
	_ =	sdelay $0x1  }
0xa3: {  	s22 =	simm.s32 $0x1B8B  }
0xa4: {  	_ =	swait.ge [sflag:s22], $0x1  }
0xa5: {  	[sflag:s22] =	ssyncset.done $0x0  }
0xa6: {  	s23 =	simm.s32 $0x1B8E;
	[sflag:s22] =	ssyncadd.s32 $0xFFFFFFFF  }
0xa7: {  	s24 =	simm.s32 $execute0_lowered;
	[smem:$0x3FD2] =	sst s23  }
0xa8: {  	s7 =	sshll.u32 s24, $0x1;
	_ =	strace $0x80000046;
	[dreg:$0x1] =	wrdreg $0xFFFFFFFF  }
0xa9: {  	s25 =	simm.s32 $_size_execute0_lowered;
	s6 =	sadd.s32 s6, s7;
	[dreg:$0x0] =	wrdreg $0x0  }
0xaa: {  	s7 =	sshll.u32 s25, $0x1;
	[dreg:$0x2] =	wrdreg s6  }
0xab: {  	[dreg:$0x3] =	wrdreg s7  }
0xac: {  	[dreg:$0x4] =	wrdreg $0xC0  }
0xad: {  	_ =	task [dreg:s10], $0x5FFFF  }
0xae: {  	[dreg:$0x1] =	wrdreg $0xFFFFFFFF  }
0xaf: {  	[dreg:$0x0] =	wrdreg $0x60  }
0xb0: {  	[dreg:$0x2] =	wrdreg s0  }
0xb1: {  	[dreg:$0x3] =	wrdreg s17  }
0xb2: {  	[dreg:$0x4] =	wrdreg s2  }
0xb3: {  	[dreg:$0x5] =	wrdreg s3  }
0xb4: {  	[dreg:$0x6] =	wrdreg s4  }
0xb5: {  	[dreg:$0x7] =	wrdreg s5  }
0xb6: {  	[dreg:$0x8] =	wrdreg $0x9  }
0xb7: {  	_ =	task.clear_ibuf [dreg:s10], $0x9FFFF;
	_ =	strace $0x90000046  }
0xb8: {  	s26 =	simm.s32 $0x9;
	_ =	strace $0x80000048  }
0xb9: {  	_ =	swait.ge [sflag:s26], $0x1  }
0xba: {  	[sflag:s26] =	ssyncadd.s32 $0xFFFFFFFF  }
0xbb: {  	_ =	strace $0x90000048  }
0xbc: {  	_ =	sfence  }
0xbd: {  	s28 =	sld [smem:$0x0];
	_ =	sdelay $0x1  }
0xbe: {  	s29 =	srdreg.scid  }
0xbf: {  	s30 =	sshll.u32 s29, $0xD;
	s31 =	sshrl.u32 s29, $0x2  }
0xc0: {  	s1 =	sand.u32 $0x1, s29;
	s2 =	sand.u32 $0x4000, s30;
	s0 =	sadd.s32 s31, s28  }
0xc1: {  	s1 =	sor.u32 s2, s1;
	s0 =	sshll.u32 s0, $0x11  }
0xc2: {  	s0 =	sor.u32 s0, s1  }
0xc3: {  	s0 =	sadd.s32 $0x8F2B, s0  }
0xc4: {  	[sflag:s0] =	ssyncadd.remote.s32 $0x1  }
0xc5: {  	_ =	sfence.sel $0xFFFF  }
0xc6: {  	[dreg:$0x0] =	wrdreg $0xFFFFFFFF;
	(pc) =	sbr.abs _section_cstart, $3  }
0xc7: {  	[dreg:$0x1] =	wrdreg $0xFFFFFFFF  }
0xc8: {  	_ =	task.clear_ibuf [dreg:s10], $0x2FFFF;
	_ =	strace $0x9FFFFFFF  }
0xc9: {  	(tm) =	ssettm $0x7FFFFFFF  }
tec
execute0_lowered:
.L_overlay_start_1:
0x0: {  	(tag) =	ssettag $0x1  }
0x1: {  	s4 =	rddreg [dreg:$0x0]  }
0x2: {  	s5 =	rddreg [dreg:$0x1]  }
0x3: {  	s6 =	rddreg [dreg:$0x2]  }
0x4: {  	s7 =	rddreg [dreg:$0x3]  }
0x5: {  	s8 =	rddreg [dreg:$0x4]  }
0x6: {  	s2 =	rddreg [dreg:$0x5];
	s9 =	simm.s32 $0x0;
	s1 =	stileid.u32  }
0x7: {  	[smem:$0x7FF] =	sst s9;
	s3 =	sshll.u32 s1, $0x7  }
0x8: {  	s0 =	rddreg [dreg:$0x6];
	_ =	strace $0x80000047;
	s4 =	sadd.s32 s4, s3  }
0x9: {  	[tilespmem:s9], [sflag:$0x1] =	stream.linear.gather [hbm4b:s4+s9], $0x400, $0x38;
	[tilespmem:$0x1100] =	vst v63  }
0xa: {  	s20 =	simm.s32 $0x400;
	s21 =	simm.s32 $0x10;
	s19 =	sadd.s32 s5, s3  }
0xb: {  	v0 =	vimm.s32 $0x0;
	[tilespmem:s20], [sflag:$0x2] =	stream.linear.gather [hbm4b:s19+s9], $0x400, $0x38;
	[tilespmem:$0x1100] =	vst v63  }
0xc: {  	s10 =	simm.s32 $0x1000;
	s11 =	simm.s32 $0x1080;
	s22 =	simm.s32 $0x1;
	[tilespmem:$0x1000] =	vst v0  }
0xd: {  	[tilespmem:s11], [sflag:$0x5] =	stream.indirect.gather [hbm4b:s8+s21], $0x1, s10, s21, $0xb8;
	[tilespmem:$0x1100] =	vst v63  }
0xe: {  	_ =	swait.ge [sflag:s22], $0x400  }
0xf: {  	[sflag:s22] =	ssyncset.done $0x0  }
0x10: {  	s23 =	simm.s32 $0x200;
	s24 =	simm.s32 $0x800;
	[sflag:s22] =	ssyncadd.s32 $0xFFFFFC00  }
0x11: {  	[tilespmem:s24], [sflag:$0x1] =	stream.indirect.gather [hbm4b:s6+s23], $0x1, s9, s23, $0xb8;
	[tilespmem:$0x1100] =	vst v63  }
0x12: {  	s25 =	simm.s32 $0xA00;
	s26 =	simm.s32 $0x2  }
0x13: {  	[tilespmem:s25], [sflag:$0x3] =	stream.indirect.gather [hbm4b:s6+s23], $0x1, s23, s23, $0xb8;
	[tilespmem:$0x1100] =	vst v63  }
0x14: {  	_ =	swait.ge [sflag:s26], $0x400  }
0x15: {  	[sflag:s26] =	ssyncset.done $0x0  }
0x16: {  	s28 =	simm.s32 $0xC00;
	[sflag:s26] =	ssyncadd.s32 $0xFFFFFC00  }
0x17: {  	[tilespmem:s28], [sflag:$0x2] =	stream.indirect.gather [hbm4b:s7+s23], $0x1, s20, s23, $0xb8;
	[tilespmem:$0x1100] =	vst v63  }
0x18: {  	s29 =	simm.s32 $0x600;
	s30 =	simm.s32 $0xE00;
	s31 =	simm.s32 $0x5  }
0x19: {  	[tilespmem:s30], [sflag:$0x4] =	stream.indirect.gather [hbm4b:s7+s23], $0x1, s29, s23, $0xb8;
	[tilespmem:$0x1100] =	vst v63  }
0x1a: {  	_ =	swait.ge [sflag:s31], $0x10  }
0x1b: {  	[sflag:s31] =	ssyncset.done $0x0  }
0x1c: {  	[sflag:s31] =	ssyncadd.s32 $0xFFFFFFF0  }
0x1d: {  	v0 =	vld [tilespmem:$0x1080];
	_ =	swait.ge [sflag:s22], $0x200  }
0x1e: {  	[sflag:s22] =	ssyncset.done $0x0  }
0x1f: {  	[sflag:s22] =	ssyncadd.s32 $0xFFFFFE00  }
0x20: {  	_ =	swait.ge [sflag:s26], $0x200  }
0x21: {  	[sflag:s26] =	ssyncset.done $0x0  }
0x22: {  	s4 =	simm.s32 $0x0;
	[sflag:s26] =	ssyncadd.s32 $0xFFFFFE00  }
0x23: {  	s5 =	simm.s32 $0x40;
	v1 =	vld [tilespmem:s4+$0xC00]  }
.LBB2_1:
0x24: {  	p0 =	sne.s32 s5, $0x7C0;
	v2 =	vld [tilespmem:s4+$0x800];
	_ =	sdelay $0x4  }
.Ltmp0:
0x25: {  	v1 =	vadd.f32 v1, v2;
	(pc) =	sbr.rel @p0 .LBB2_1-.Ltmp0, $4  }
0x26: {  	_ = 	snop  }
0x27: {  	v2 =	vadd.f32 v1, v0  }
0x28: {  	s6 =	sshra.s32 s5, $0x2  }
0x29: {  	s5 =	sadd.s32 $0x40, s5;
	v1 =	vld [tilespmem:s6+$0xC00];
	[tilespmem:s4+$0x800] =	vst v2;
	s4 =	smov.u32 s6  }
0x2a: {  	v2 =	vld [tilespmem:s4+$0x800];
	_ =	sdelay $0x4  }
0x2b: {  	v1 =	vadd.f32 v1, v2;
	_ =	sdelay $0x1  }
0x2c: {  	v1 =	vadd.f32 v1, v0  }
0x2d: {  	s29 =	sadd.s32 s2, s3  }
0x2e: {  	s5 =	simm.s32 $0x0;
	s6 =	simm.s32 $0x800;
	s30 =	simm.s32 $0x3;
	[tilespmem:s4+$0x800] =	vst v1  }
0x2f: {  	[hbm4b:s29+s5] =	stream.linear.scatter [tilespmem:s6], [sflag:$0x5], $0x200, $0x38;
	[tilespmem:$0x1100] =	vst v63  }
0x30: {  	_ =	swait.ge [sflag:s30], $0x200  }
0x31: {  	[sflag:s30] =	ssyncset.done $0x0  }
0x32: {  	s31 =	simm.s32 $0x4;
	[sflag:s30] =	ssyncadd.s32 $0xFFFFFE00  }
0x33: {  	_ =	swait.ge [sflag:s31], $0x200  }
0x34: {  	[sflag:s31] =	ssyncset.done $0x0  }
0x35: {  	s4 =	simm.s32 $0x0;
	[sflag:s31] =	ssyncadd.s32 $0xFFFFFE00  }
0x36: {  	s5 =	simm.s32 $0x40;
	v1 =	vld [tilespmem:s4+$0xE00]  }
.LBB2_3:
0x37: {  	p0 =	sne.s32 s5, $0x7C0;
	v2 =	vld [tilespmem:s4+$0xA00];
	_ =	sdelay $0x4  }
.Ltmp1:
0x38: {  	v1 =	vadd.f32 v1, v2;
	(pc) =	sbr.rel @p0 .LBB2_3-.Ltmp1, $4  }
0x39: {  	_ = 	snop  }
0x3a: {  	v2 =	vadd.f32 v1, v0  }
0x3b: {  	s6 =	sshra.s32 s5, $0x2  }
0x3c: {  	s5 =	sadd.s32 $0x40, s5;
	v1 =	vld [tilespmem:s6+$0xE00];
	[tilespmem:s4+$0xA00] =	vst v2;
	s4 =	smov.u32 s6  }
0x3d: {  	v2 =	vld [tilespmem:s4+$0xA00];
	_ =	sdelay $0x4  }
0x3e: {  	v1 =	vadd.f32 v1, v2;
	_ =	sdelay $0x1  }
0x3f: {  	v0 =	vadd.f32 v1, v0  }
0x40: {  	s2 =	sadd.s32 s3, s2;
	s28 =	simm.s32 $0x0  }
0x41: {  	s29 =	simm.s32 $0xA00;
	s30 =	simm.s32 $0x5;
	s2 =	sadd.s32 $0x40, s2;
	[tilespmem:s4+$0xA00] =	vst v0  }
0x42: {  	[hbm4b:s2+s28] =	stream.linear.scatter [tilespmem:s29], [sflag:$0x1], $0x200, $0x38;
	[tilespmem:$0x1100] =	vst v63  }
0x43: {  	_ =	swait.ge [sflag:s30], $0x200  }
0x44: {  	[sflag:s30] =	ssyncset.done $0x0  }
0x45: {  	s31 =	simm.s32 $0x1;
	[sflag:s30] =	ssyncadd.s32 $0xFFFFFE00  }
0x46: {  	_ =	swait.ge [sflag:s31], $0x200  }
0x47: {  	[sflag:s31] =	ssyncset.done $0x0  }
0x48: {  	[sflag:s31] =	ssyncadd.s32 $0xFFFFFE00  }
0x49: {  	_ =	sfence.sel $0x180000  }
0x4a: {  	[bflag:$0x0] =	sbarrier.arrive $0xFFFF  }
0x4b: {  	p0 =	sne.s32 s1, $0x0;
	_ =	strace $0x90000047  }
0x4c: {  	s0 =	sadd.s32 @!p0 $0x100000, s0;
	[bflag:$0x2] =	sbarrier.arrive $0xFFFF  }
0x4d: {  	[sflag:s0] =	ssyncadd.tile.s32 @!p0 $0x1;
	_ =	shalt  }
.Lfunc_end2:
_tile_overlayer_lowered:
.L_overlay_start_2:
0x4e: {  	(tag) =	ssettag $0x2  }
0x4f: {  	s0 =	rddreg [dreg:$0x0];
	s2 =	stileid.u32  }
0x50: {  	s1 =	rddreg [dreg:$0x1];
	p0 =	sne.s32 s2, $0x0  }
0x51: {  	s3 =	rddreg [dreg:$0x2];
	[bflag:$0x3] =	sbarrier.arrive $0xFFFF;
	s2 =	simm.s32 @!p0 $0x1C06  }
0x52: {  	[timem:s3], [sflag:s2] =	dma.local @!p0 [hbm:s0], s1  }
0x53: {  	s0 =	simm.s32 @!p0 $0x6  }
0x54: {  	_ =	swait.ge @!p0 [sflag:s0], s1  }
0x55: {  	s1 =	ssub.s32 @!p0 $0x0, s1;
	[sflag:s0] =	ssyncset.done @!p0 $0x0  }
0x56: {  	[sflag:s0] =	ssyncadd.s32 @!p0 s1  }
0x57: {  	[bflag:$0x3] =	sbarrier.arrive $0xFFFF  }
0x58: {  	_ =	shalt  }

</sc_bundles>
